<compile_context>
chip_gen: v7x
topology: tpu7x:2x2x1
jax: 0.10.2.dev20260603
libtpu: 0.0.44.dev20260713+nightly
codegen_flags: <defaults>
</compile_context>

<pallas_src>
import functools

import jax
import jax.numpy as jnp
from jax import lax
from jax.experimental import pallas as pl
from jax.experimental.pallas import tpu as pltpu
from jax.experimental.pallas import tpu_sc as plsc

N_EMB = 8192
DIM = 64
N_TOK = 8192
COMMIT = 0.25
EPS_ = 1e-05

_B = 8
_HW = 1024
TM = 1024
CN = 1024
_NJ = N_EMB // CN

_NC = 2
_NS = 16
_NW = _NC * _NS
_IDX_ROWS = N_TOK // 128
_ROWS_PER_W = _IDX_ROWS // _NW



SUPER = 4096
_SUB = SUPER // CN


def _argmin_body(z_ref, e2_ref, zsq_ref, esq_ref, idx_out, dmin_out,
                 sbval, sbidx, gval, gidx):
    j = pl.program_id(1)

    @pl.when(j == 0)
    def _():
        gval[...] = jnp.full_like(gval[...], jnp.inf)
        gidx[...] = jnp.zeros_like(gidx[...])

    @pl.when(j % _SUB == 0)
    def _():
        sbval[...] = jnp.full_like(sbval[...], jnp.inf)
        sbidx[...] = jnp.zeros_like(sbidx[...])

    zb = z_ref[...]
    e2 = e2_ref[...]
    zsq = zsq_ref[...].reshape(1, TM)
    esq = esq_ref[...]
    m2 = lax.dot_general(
        e2, zb, (((1,), (1,)), ((), ())),
        preferred_element_type=jnp.float32)
    s = (zsq + esq) - m2
    bmin = jnp.min(s, axis=0, keepdims=True)
    rows = lax.broadcasted_iota(jnp.int32, s.shape, 0).astype(jnp.float32)
    bidx = jnp.min(jnp.where(s == bmin, rows, jnp.float32(2.0**30)),
                   axis=0, keepdims=True)
    bidx = bidx + (j * CN).astype(jnp.float32)
    better = bmin < sbval[...]
    sbidx[...] = jnp.where(better, bidx, sbidx[...])
    sbval[...] = jnp.where(better, bmin, sbval[...])

    @pl.when(j % _SUB == _SUB - 1)
    def _():
        g = gval[...]
        take = sbval[...] < g
        gidx[...] = jnp.where(take, sbidx[...], gidx[...])
        gval[...] = jnp.where(take, sbval[...], g).astype(
            jnp.bfloat16).astype(jnp.float32)

    @pl.when(j == pl.num_programs(1) - 1)
    def _():
        idx_out[...] = gidx[...].astype(jnp.int32).reshape(1, 1, TM)
        dmin_out[...] = gval[...].reshape(1, 1, TM)


_argmin_call = pl.pallas_call(
    _argmin_body,
    grid=(_B, _NJ),
    in_specs=[
        pl.BlockSpec((TM, DIM), lambda i, j: (i, 0)),
        pl.BlockSpec((CN, DIM), lambda i, j: (j, 0)),
        pl.BlockSpec((1, 1, TM), lambda i, j: (i, 0, 0)),
        pl.BlockSpec((CN, 1), lambda i, j: (j, 0)),
    ],
    out_specs=(
        pl.BlockSpec((1, 1, TM), lambda i, j: (i, 0, 0)),
        pl.BlockSpec((1, 1, TM), lambda i, j: (i, 0, 0)),
    ),
    out_shape=(
        jax.ShapeDtypeStruct((_B, 1, TM), jnp.int32),
        jax.ShapeDtypeStruct((_B, 1, TM), jnp.float32),
    ),
    scratch_shapes=[
        pltpu.VMEM((1, TM), jnp.float32),
        pltpu.VMEM((1, TM), jnp.float32),
        pltpu.VMEM((1, TM), jnp.float32),
        pltpu.VMEM((1, TM), jnp.float32),
    ],
)



def _sc_body(idx_hbm, emb_hbm, zeros_hbm, ones_hbm, out_rows, out_counts,
             idx_v, rows_v, ones_v, cnt_sh, sem):
    c = lax.axis_index("c")
    s = lax.axis_index("s")
    wid = s * _NC + c
    base = wid * _ROWS_PER_W

    @pl.when(s == 0)
    def _():
        pltpu.sync_copy(zeros_hbm, cnt_sh)

    pltpu.sync_copy(idx_hbm.at[pl.ds(base, _ROWS_PER_W)], idx_v)
    pltpu.sync_copy(ones_hbm, ones_v)
    for r in range(_ROWS_PER_W):
        pltpu.async_copy(emb_hbm.at[idx_v.at[r]], rows_v.at[r], sem)
    plsc.subcore_barrier()
    for r in range(_ROWS_PER_W):
        pltpu.sync_copy(ones_v.at[r], cnt_sh.at[idx_v.at[r]], add=True)
    for r in range(_ROWS_PER_W):
        pltpu.make_async_copy(emb_hbm.at[idx_v.at[r]], rows_v.at[r], sem).wait()
    pltpu.sync_copy(rows_v, out_rows.at[pl.ds(base, _ROWS_PER_W)])
    plsc.subcore_barrier()

    @pl.when(s == 0)
    def _():
        pltpu.sync_copy(cnt_sh, out_counts.at[c])


@functools.cache
def _sc_call():
    return pl.kernel(
        _sc_body,
        out_type=(
            jax.ShapeDtypeStruct((_IDX_ROWS, 128, DIM), jnp.float32),
            jax.ShapeDtypeStruct((_NC, N_EMB), jnp.float32),
        ),
        mesh=plsc.VectorSubcoreMesh(
            core_axis_name="c", subcore_axis_name="s",
            num_cores=_NC, num_subcores=_NS),
        scratch_types=[
            pltpu.VMEM((_ROWS_PER_W, 128), jnp.int32),
            pltpu.VMEM((_ROWS_PER_W, 128, DIM), jnp.float32),
            pltpu.VMEM((_ROWS_PER_W, 128), jnp.float32),
            pltpu.VMEM_SHARED((N_EMB,), jnp.float32),
            pltpu.SemaphoreType.DMA,
        ],
        compiler_params=pltpu.CompilerParams(use_tc_tiling_on_sc=False),
    )



def _final_body(dmin_ref, cnt_ref, loss_ref, perp_ref):
    loss_ref[0, 0] = jnp.sum(dmin_ref[...]) * (COMMIT / (N_TOK * DIM))
    counts = cnt_ref[0:1, :] + cnt_ref[1:2, :]
    p = counts * (1.0 / N_TOK)
    perp_ref[0, 0] = jnp.exp(-jnp.sum(p * jnp.log(p + EPS_)))


_final_call = pl.pallas_call(
    _final_body,
    out_specs=(
        pl.BlockSpec(memory_space=pltpu.SMEM),
        pl.BlockSpec(memory_space=pltpu.SMEM),
    ),
    out_shape=(
        jax.ShapeDtypeStruct((1, 1), jnp.float32),
        jax.ShapeDtypeStruct((1, 1), jnp.float32),
    ),
)


def kernel(z, embedding):
    B, C, H, W = z.shape
    z3 = z.reshape(B, C, H * W)

    flat_z = jnp.transpose(z, (0, 2, 3, 1)).reshape(-1, C)
    z_sq = jnp.sum(flat_z ** 2, axis=1, keepdims=True)
    e_sq = jnp.sum(embedding ** 2, axis=1)
    zsq3 = z_sq.reshape(_B, 1, TM)
    esq2 = e_sq.reshape(N_EMB, 1)
    e2_bf = (2.0 * embedding).astype(jnp.bfloat16)
    z_bf = flat_z.astype(jnp.bfloat16)

    idx, dmin = _argmin_call(z_bf, e2_bf, zsq3, esq2)

    zeros = jnp.zeros((N_EMB,), jnp.float32)
    ones = jnp.ones((_ROWS_PER_W, 128), jnp.float32)
    rows, counts2 = _sc_call()(
        idx.reshape(_IDX_ROWS, 128), embedding, zeros, ones)

    loss11, perp11 = _final_call(dmin, counts2)

    quantized = rows.reshape(B, H, W, C).transpose(0, 3, 1, 2)
    vq_loss = loss11.reshape(())
    perplexity = perp11.reshape(())
    codes = idx.reshape(B, H, W)
    return quantized, vq_loss, perplexity, codes

# --- scband reference (transcript-rebuilt; emitter-appended) ---
"""Pipeline reference for scband-vector-quantizer-ema-14834817040644 (READ-ONLY COPY).

The authoritative reference and input builder live on the scoring server;
editing this copy changes nothing except your own understanding.
"""

import jax, jax.numpy as jnp
import numpy as np

NUM_EMBEDDINGS = 8192
EMBEDDING_DIM = 64
COMMITMENT_COST = 0.25
DECAY = 0.99
EPS = 1e-05


def setup_inputs(seed: int = 0) -> dict:
    key = jax.random.key(seed)
    k1, k2 = jax.random.split(key)
    z = jax.random.normal(k1, (8, 64, 32, 32), dtype=jnp.float32)
    embedding = jax.random.normal(k2, (NUM_EMBEDDINGS, EMBEDDING_DIM), dtype=jnp.float32)
    return {"z": z, "embedding": embedding}


def reference(z, embedding):
    B, C, H, W = z.shape
    # channels-last flatten (permute_order = [0,2,3,1])
    z_perm = jnp.transpose(z, (0, 2, 3, 1))
    flat_z = z_perm.reshape(-1, C)
    z_sq = jnp.sum(flat_z ** 2, axis=1, keepdims=True)
    e_sq = jnp.sum(embedding ** 2, axis=1)
    distances = z_sq + e_sq - 2.0 * jnp.matmul(flat_z, embedding.T)
    encoding_indices = jnp.argmin(distances, axis=1)
    # one-hot @ embedding == gather of codebook rows
    quantized_flat = jnp.take(embedding, encoding_indices, axis=0)
    quantized = quantized_flat.reshape(z_perm.shape)
    quantized = jnp.transpose(quantized, (0, 3, 1, 2))
    # straight-through estimator
    quantized = z + jax.lax.stop_gradient(quantized - z)
    commitment_loss = jnp.mean((jax.lax.stop_gradient(quantized) - z) ** 2)
    # decay > 0 -> EMA codebook path, no codebook gradient loss term
    vq_loss = commitment_loss * COMMITMENT_COST
    counts = jnp.bincount(encoding_indices, length=NUM_EMBEDDINGS).astype(flat_z.dtype)
    avg_probs = counts / flat_z.shape[0]
    perplexity = jnp.exp(-jnp.sum(avg_probs * jnp.log(avg_probs + EPS)))
    codes = encoding_indices.reshape(B, H, W)
    return quantized, vq_loss, perplexity, codes

if __name__ == "__main__":
    import jax
    _d = setup_inputs()
    print(jax.jit(kernel)(*tuple(_d.values())))

</pallas_src>

<mosaic_0001>
#map = affine_map<(d0, d1) -> (0, 0)>
#map1 = affine_map<(d0, d1) -> (0)>
#map2 = affine_map<(d0, d1) -> (0, 0, 0)>
module attributes {stable_mosaic.version = 14 : i64} {
  func.func @_sc_body(%arg0: i32, %arg1: i32, %arg2: memref<64x128xi32, #tpu.memory_space<hbm>>, %arg3: memref<8192x64xf32, #tpu.memory_space<hbm>>, %arg4: memref<8192xf32, #tpu.memory_space<hbm>>, %arg5: memref<2x128xf32, #tpu.memory_space<hbm>>, %arg6: memref<64x128x64xf32, #tpu.memory_space<hbm>>, %arg7: memref<2x8192xf32, #tpu.memory_space<hbm>>, %arg8: memref<2x128xi32, #tpu.memory_space<vmem>>, %arg9: memref<2x128x64xf32, #tpu.memory_space<vmem>>, %arg10: memref<2x128xf32, #tpu.memory_space<vmem>>, %arg11: memref<8192xf32, #tpu.memory_space<vmem_shared>>, %arg12: memref<!tpu.dma_semaphore, #tpu.memory_space<semaphore_mem>>) attributes {dimension_semantics = [#tpu.dimension_semantics<core_parallel>, #tpu.dimension_semantics<subcore_parallel>], iteration_bounds = array<i64: 2, 16>, scalar_prefetch = 0 : i64, scratch_operands = 5 : i64, tpu.core_type = #tpu.core_type<sc_vector_subcore>, window_params = [{transform_indices = #map}, {transform_indices = #map}, {transform_indices = #map1}, {transform_indices = #map}, {transform_indices = #map2}, {transform_indices = #map}]} {
    %mul3A = arith.constant 2 : i32
    %mul3A_0 = arith.muli %arg1, %mul3A : i32
    %add3A = arith.addi %mul3A_0, %arg0 : i32
    %mul3A_1 = arith.constant 2 : i32
    %mul3A_2 = arith.muli %add3A, %mul3A_1 : i32
    %eq3A = arith.constant 0 : i32
    %eq3A_3 = arith.cmpi eq, %arg1, %eq3A : i32
    %convert_element_type3A = arith.extui %eq3A_3 : i1 to i32
    %cond3A = arith.constant 0 : i32
    %cond3A_4 = arith.cmpi ne, %convert_element_type3A, %cond3A : i32
    scf.if %cond3A_4 {
      "tpu.region"() ({
        %run_scoped3A_60 = tpu.sem_alloc : memref<!tpu.dma_semaphore, #tpu.memory_space<semaphore_mem>>
        tpu.enqueue_dma source(%arg4 : memref<8192xf32, #tpu.memory_space<hbm>>) target(%arg11 : memref<8192xf32, #tpu.memory_space<vmem_shared>>) target_semaphore(%run_scoped3A_60 : memref<!tpu.dma_semaphore, #tpu.memory_space<semaphore_mem>>)
        tpu.wait_dma2 semaphore(%run_scoped3A_60 : memref<!tpu.dma_semaphore, #tpu.memory_space<semaphore_mem>>) src(%arg4 : memref<8192xf32, #tpu.memory_space<hbm>>) dst(%arg11 : memref<8192xf32, #tpu.memory_space<vmem_shared>>)
        tpu.yield
      }) : () -> ()
    } else {
    }
    "tpu.region"() ({
      %run_scoped3A_60 = tpu.sem_alloc : memref<!tpu.dma_semaphore, #tpu.memory_space<semaphore_mem>>
      %dma_start3A_61 = arith.constant 0 : i32
      %dma_start3A_62 = tpu.memref_slice %arg2[%mul3A_2, %dma_start3A_61] : memref<64x128xi32, #tpu.memory_space<hbm>> -> memref<2x128xi32, #tpu.memory_space<hbm>>
      %dma_start3A_63 = arith.constant 0 : i32
      %dma_start3A_64 = tpu.memref_slice %arg2[%mul3A_2, %dma_start3A_63] : memref<64x128xi32, #tpu.memory_space<hbm>> -> memref<2x128xi32, #tpu.memory_space<hbm>>
      tpu.enqueue_dma source(%dma_start3A_64 : memref<2x128xi32, #tpu.memory_space<hbm>>) target(%arg8 : memref<2x128xi32, #tpu.memory_space<vmem>>) target_semaphore(%run_scoped3A_60 : memref<!tpu.dma_semaphore, #tpu.memory_space<semaphore_mem>>)
      %dma_wait3A_65 = arith.constant 0 : i32
      %dma_wait3A_66 = tpu.memref_slice %arg2[%mul3A_2, %dma_wait3A_65] : memref<64x128xi32, #tpu.memory_space<hbm>> -> memref<2x128xi32, #tpu.memory_space<hbm>>
      %dma_wait3A_67 = arith.constant 0 : i32
      %dma_wait3A_68 = tpu.memref_slice %arg2[%mul3A_2, %dma_wait3A_67] : memref<64x128xi32, #tpu.memory_space<hbm>> -> memref<2x128xi32, #tpu.memory_space<hbm>>
      tpu.wait_dma2 semaphore(%run_scoped3A_60 : memref<!tpu.dma_semaphore, #tpu.memory_space<semaphore_mem>>) src(%dma_wait3A_68 : memref<2x128xi32, #tpu.memory_space<hbm>>) dst(%arg8 : memref<2x128xi32, #tpu.memory_space<vmem>>)
      tpu.yield
    }) : () -> ()
    "tpu.region"() ({
      %run_scoped3A_60 = tpu.sem_alloc : memref<!tpu.dma_semaphore, #tpu.memory_space<semaphore_mem>>
      tpu.enqueue_dma source(%arg5 : memref<2x128xf32, #tpu.memory_space<hbm>>) target(%arg10 : memref<2x128xf32, #tpu.memory_space<vmem>>) target_semaphore(%run_scoped3A_60 : memref<!tpu.dma_semaphore, #tpu.memory_space<semaphore_mem>>)
      tpu.wait_dma2 semaphore(%run_scoped3A_60 : memref<!tpu.dma_semaphore, #tpu.memory_space<semaphore_mem>>) src(%arg5 : memref<2x128xf32, #tpu.memory_space<hbm>>) dst(%arg10 : memref<2x128xf32, #tpu.memory_space<vmem>>)
      tpu.yield
    }) : () -> ()
    %dma_start3A = arith.constant 0 : i32
    %dma_start3A_5 = arith.constant 0 : i32
    %dma_start3A_6 = arith.constant 0 : i32
    %dma_start3A_7 = arith.constant 0 : i32
    %dma_start3A_8 = tpu.memref_slice %arg9[%dma_start3A_5, %dma_start3A_6, %dma_start3A_7] : memref<2x128x64xf32, #tpu.memory_space<vmem>> -> memref<1x128x64xf32, #tpu.memory_space<vmem>>
    %dma_start3A_9 = tpu.memref_squeeze %dma_start3A_8 : memref<1x128x64xf32, #tpu.memory_space<vmem>> -> memref<128x64xf32, #tpu.memory_space<vmem>>
    %dma_start3A_10 = arith.constant 0 : i32
    %dma_start3A_11 = tpu.memref_slice %arg8[%dma_start3A, %dma_start3A_10] : memref<2x128xi32, #tpu.memory_space<vmem>> -> memref<1x128xi32, #tpu.memory_space<vmem>>
    %dma_start3A_12 = tpu.memref_squeeze %dma_start3A_11 : memref<1x128xi32, #tpu.memory_space<vmem>> -> memref<128xi32, #tpu.memory_space<vmem>>
    %dma_start3A_13 = arith.constant 0 : i32
    %dma_start3A_14 = arith.constant 0 : i32
    %dma_start3A_15 = tpu.memref_slice %arg3[%dma_start3A_13, %dma_start3A_14] : memref<8192x64xf32, #tpu.memory_space<hbm>> -> memref<8192x64xf32, #tpu.memory_space<hbm>>
    tpu.enqueue_indirect_dma source(%dma_start3A_15 : memref<8192x64xf32, #tpu.memory_space<hbm>>) target(%dma_start3A_9 : memref<128x64xf32, #tpu.memory_space<vmem>>) offsets(%dma_start3A_12 : memref<128xi32, #tpu.memory_space<vmem>>) semaphore(%arg12 : memref<!tpu.dma_semaphore, #tpu.memory_space<semaphore_mem>>)
    %dma_start3A_16 = arith.constant 1 : i32
    %dma_start3A_17 = arith.constant 1 : i32
    %dma_start3A_18 = arith.constant 0 : i32
    %dma_start3A_19 = arith.constant 0 : i32
    %dma_start3A_20 = tpu.memref_slice %arg9[%dma_start3A_17, %dma_start3A_18, %dma_start3A_19] : memref<2x128x64xf32, #tpu.memory_space<vmem>> -> memref<1x128x64xf32, #tpu.memory_space<vmem>>
    %dma_start3A_21 = tpu.memref_squeeze %dma_start3A_20 : memref<1x128x64xf32, #tpu.memory_space<vmem>> -> memref<128x64xf32, #tpu.memory_space<vmem>>
    %dma_start3A_22 = arith.constant 0 : i32
    %dma_start3A_23 = tpu.memref_slice %arg8[%dma_start3A_16, %dma_start3A_22] : memref<2x128xi32, #tpu.memory_space<vmem>> -> memref<1x128xi32, #tpu.memory_space<vmem>>
    %dma_start3A_24 = tpu.memref_squeeze %dma_start3A_23 : memref<1x128xi32, #tpu.memory_space<vmem>> -> memref<128xi32, #tpu.memory_space<vmem>>
    %dma_start3A_25 = arith.constant 0 : i32
    %dma_start3A_26 = arith.constant 0 : i32
    %dma_start3A_27 = tpu.memref_slice %arg3[%dma_start3A_25, %dma_start3A_26] : memref<8192x64xf32, #tpu.memory_space<hbm>> -> memref<8192x64xf32, #tpu.memory_space<hbm>>
    tpu.enqueue_indirect_dma source(%dma_start3A_27 : memref<8192x64xf32, #tpu.memory_space<hbm>>) target(%dma_start3A_21 : memref<128x64xf32, #tpu.memory_space<vmem>>) offsets(%dma_start3A_24 : memref<128xi32, #tpu.memory_space<vmem>>) semaphore(%arg12 : memref<!tpu.dma_semaphore, #tpu.memory_space<semaphore_mem>>)
    %barrier3A = arith.constant 0 : index
    tpu.barrier barrier_id(%barrier3A)
    %run_scoped3A = arith.constant 0 : i32
    %run_scoped3A_28 = arith.constant 0 : i32
    "tpu.region"() ({
      %run_scoped3A_60 = tpu.sem_alloc : memref<!tpu.dma_semaphore, #tpu.memory_space<semaphore_mem>>
      %dma_start3A_61 = arith.constant 0 : i32
      %dma_start3A_62 = tpu.memref_slice %arg10[%run_scoped3A, %dma_start3A_61] : memref<2x128xf32, #tpu.memory_space<vmem>> -> memref<1x128xf32, #tpu.memory_space<vmem>>
      %dma_start3A_63 = tpu.memref_squeeze %dma_start3A_62 : memref<1x128xf32, #tpu.memory_space<vmem>> -> memref<128xf32, #tpu.memory_space<vmem>>
      %dma_start3A_64 = arith.constant 0 : i32
      %dma_start3A_65 = tpu.memref_slice %arg8[%run_scoped3A_28, %dma_start3A_64] : memref<2x128xi32, #tpu.memory_space<vmem>> -> memref<1x128xi32, #tpu.memory_space<vmem>>
      %dma_start3A_66 = tpu.memref_squeeze %dma_start3A_65 : memref<1x128xi32, #tpu.memory_space<vmem>> -> memref<128xi32, #tpu.memory_space<vmem>>
      %dma_start3A_67 = arith.constant 0 : i32
      %dma_start3A_68 = tpu.memref_slice %arg11[%dma_start3A_67] : memref<8192xf32, #tpu.memory_space<vmem_shared>> -> memref<8192xf32, #tpu.memory_space<vmem_shared>>
      tpu.enqueue_indirect_dma source(%dma_start3A_63 : memref<128xf32, #tpu.memory_space<vmem>>) target(%dma_start3A_68 : memref<8192xf32, #tpu.memory_space<vmem_shared>>) offsets(%dma_start3A_66 : memref<128xi32, #tpu.memory_space<vmem>>) semaphore(%run_scoped3A_60 : memref<!tpu.dma_semaphore, #tpu.memory_space<semaphore_mem>>) {add = true}
      %dma_wait3A_69 = arith.constant 0 : i32
      %dma_wait3A_70 = tpu.memref_slice %arg10[%run_scoped3A, %dma_wait3A_69] : memref<2x128xf32, #tpu.memory_space<vmem>> -> memref<1x128xf32, #tpu.memory_space<vmem>>
      %dma_wait3A_71 = tpu.memref_squeeze %dma_wait3A_70 : memref<1x128xf32, #tpu.memory_space<vmem>> -> memref<128xf32, #tpu.memory_space<vmem>>
      %dma_wait3A_72 = arith.constant 0 : i32
      %dma_wait3A_73 = tpu.memref_slice %arg8[%run_scoped3A_28, %dma_wait3A_72] : memref<2x128xi32, #tpu.memory_space<vmem>> -> memref<1x128xi32, #tpu.memory_space<vmem>>
      %dma_wait3A_74 = tpu.memref_squeeze %dma_wait3A_73 : memref<1x128xi32, #tpu.memory_space<vmem>> -> memref<128xi32, #tpu.memory_space<vmem>>
      %dma_wait3A_75 = arith.constant 0 : i32
      %dma_wait3A_76 = tpu.memref_slice %arg11[%dma_wait3A_75] : memref<8192xf32, #tpu.memory_space<vmem_shared>> -> memref<8192xf32, #tpu.memory_space<vmem_shared>>
      tpu.wait_indirect_dma semaphore(%run_scoped3A_60 : memref<!tpu.dma_semaphore, #tpu.memory_space<semaphore_mem>>) src(%dma_wait3A_71 : memref<128xf32, #tpu.memory_space<vmem>>) dst(%dma_wait3A_76 : memref<8192xf32, #tpu.memory_space<vmem_shared>>)
      tpu.yield
    }) : () -> ()
    %run_scoped3A_29 = arith.constant 1 : i32
    %run_scoped3A_30 = arith.constant 1 : i32
    "tpu.region"() ({
      %run_scoped3A_60 = tpu.sem_alloc : memref<!tpu.dma_semaphore, #tpu.memory_space<semaphore_mem>>
      %dma_start3A_61 = arith.constant 0 : i32
      %dma_start3A_62 = tpu.memref_slice %arg10[%run_scoped3A_29, %dma_start3A_61] : memref<2x128xf32, #tpu.memory_space<vmem>> -> memref<1x128xf32, #tpu.memory_space<vmem>>
      %dma_start3A_63 = tpu.memref_squeeze %dma_start3A_62 : memref<1x128xf32, #tpu.memory_space<vmem>> -> memref<128xf32, #tpu.memory_space<vmem>>
      %dma_start3A_64 = arith.constant 0 : i32
      %dma_start3A_65 = tpu.memref_slice %arg8[%run_scoped3A_30, %dma_start3A_64] : memref<2x128xi32, #tpu.memory_space<vmem>> -> memref<1x128xi32, #tpu.memory_space<vmem>>
      %dma_start3A_66 = tpu.memref_squeeze %dma_start3A_65 : memref<1x128xi32, #tpu.memory_space<vmem>> -> memref<128xi32, #tpu.memory_space<vmem>>
      %dma_start3A_67 = arith.constant 0 : i32
      %dma_start3A_68 = tpu.memref_slice %arg11[%dma_start3A_67] : memref<8192xf32, #tpu.memory_space<vmem_shared>> -> memref<8192xf32, #tpu.memory_space<vmem_shared>>
      tpu.enqueue_indirect_dma source(%dma_start3A_63 : memref<128xf32, #tpu.memory_space<vmem>>) target(%dma_start3A_68 : memref<8192xf32, #tpu.memory_space<vmem_shared>>) offsets(%dma_start3A_66 : memref<128xi32, #tpu.memory_space<vmem>>) semaphore(%run_scoped3A_60 : memref<!tpu.dma_semaphore, #tpu.memory_space<semaphore_mem>>) {add = true}
      %dma_wait3A_69 = arith.constant 0 : i32
      %dma_wait3A_70 = tpu.memref_slice %arg10[%run_scoped3A_29, %dma_wait3A_69] : memref<2x128xf32, #tpu.memory_space<vmem>> -> memref<1x128xf32, #tpu.memory_space<vmem>>
      %dma_wait3A_71 = tpu.memref_squeeze %dma_wait3A_70 : memref<1x128xf32, #tpu.memory_space<vmem>> -> memref<128xf32, #tpu.memory_space<vmem>>
      %dma_wait3A_72 = arith.constant 0 : i32
      %dma_wait3A_73 = tpu.memref_slice %arg8[%run_scoped3A_30, %dma_wait3A_72] : memref<2x128xi32, #tpu.memory_space<vmem>> -> memref<1x128xi32, #tpu.memory_space<vmem>>
      %dma_wait3A_74 = tpu.memref_squeeze %dma_wait3A_73 : memref<1x128xi32, #tpu.memory_space<vmem>> -> memref<128xi32, #tpu.memory_space<vmem>>
      %dma_wait3A_75 = arith.constant 0 : i32
      %dma_wait3A_76 = tpu.memref_slice %arg11[%dma_wait3A_75] : memref<8192xf32, #tpu.memory_space<vmem_shared>> -> memref<8192xf32, #tpu.memory_space<vmem_shared>>
      tpu.wait_indirect_dma semaphore(%run_scoped3A_60 : memref<!tpu.dma_semaphore, #tpu.memory_space<semaphore_mem>>) src(%dma_wait3A_71 : memref<128xf32, #tpu.memory_space<vmem>>) dst(%dma_wait3A_76 : memref<8192xf32, #tpu.memory_space<vmem_shared>>)
      tpu.yield
    }) : () -> ()
    %dma_wait3A = arith.constant 0 : i32
    %dma_wait3A_31 = arith.constant 0 : i32
    %dma_wait3A_32 = arith.constant 0 : i32
    %dma_wait3A_33 = arith.constant 0 : i32
    %dma_wait3A_34 = tpu.memref_slice %arg9[%dma_wait3A_31, %dma_wait3A_32, %dma_wait3A_33] : memref<2x128x64xf32, #tpu.memory_space<vmem>> -> memref<1x128x64xf32, #tpu.memory_space<vmem>>
    %dma_wait3A_35 = tpu.memref_squeeze %dma_wait3A_34 : memref<1x128x64xf32, #tpu.memory_space<vmem>> -> memref<128x64xf32, #tpu.memory_space<vmem>>
    %dma_wait3A_36 = arith.constant 0 : i32
    %dma_wait3A_37 = tpu.memref_slice %arg8[%dma_wait3A, %dma_wait3A_36] : memref<2x128xi32, #tpu.memory_space<vmem>> -> memref<1x128xi32, #tpu.memory_space<vmem>>
    %dma_wait3A_38 = tpu.memref_squeeze %dma_wait3A_37 : memref<1x128xi32, #tpu.memory_space<vmem>> -> memref<128xi32, #tpu.memory_space<vmem>>
    %dma_wait3A_39 = arith.constant 0 : i32
    %dma_wait3A_40 = arith.constant 0 : i32
    %dma_wait3A_41 = tpu.memref_slice %arg3[%dma_wait3A_39, %dma_wait3A_40] : memref<8192x64xf32, #tpu.memory_space<hbm>> -> memref<8192x64xf32, #tpu.memory_space<hbm>>
    tpu.wait_indirect_dma semaphore(%arg12 : memref<!tpu.dma_semaphore, #tpu.memory_space<semaphore_mem>>) src(%dma_wait3A_41 : memref<8192x64xf32, #tpu.memory_space<hbm>>) dst(%dma_wait3A_35 : memref<128x64xf32, #tpu.memory_space<vmem>>)
    %dma_wait3A_42 = arith.constant 1 : i32
    %dma_wait3A_43 = arith.constant 1 : i32
    %dma_wait3A_44 = arith.constant 0 : i32
    %dma_wait3A_45 = arith.constant 0 : i32
    %dma_wait3A_46 = tpu.memref_slice %arg9[%dma_wait3A_43, %dma_wait3A_44, %dma_wait3A_45] : memref<2x128x64xf32, #tpu.memory_space<vmem>> -> memref<1x128x64xf32, #tpu.memory_space<vmem>>
    %dma_wait3A_47 = tpu.memref_squeeze %dma_wait3A_46 : memref<1x128x64xf32, #tpu.memory_space<vmem>> -> memref<128x64xf32, #tpu.memory_space<vmem>>
    %dma_wait3A_48 = arith.constant 0 : i32
    %dma_wait3A_49 = tpu.memref_slice %arg8[%dma_wait3A_42, %dma_wait3A_48] : memref<2x128xi32, #tpu.memory_space<vmem>> -> memref<1x128xi32, #tpu.memory_space<vmem>>
    %dma_wait3A_50 = tpu.memref_squeeze %dma_wait3A_49 : memref<1x128xi32, #tpu.memory_space<vmem>> -> memref<128xi32, #tpu.memory_space<vmem>>
    %dma_wait3A_51 = arith.constant 0 : i32
    %dma_wait3A_52 = arith.constant 0 : i32
    %dma_wait3A_53 = tpu.memref_slice %arg3[%dma_wait3A_51, %dma_wait3A_52] : memref<8192x64xf32, #tpu.memory_space<hbm>> -> memref<8192x64xf32, #tpu.memory_space<hbm>>
    tpu.wait_indirect_dma semaphore(%arg12 : memref<!tpu.dma_semaphore, #tpu.memory_space<semaphore_mem>>) src(%dma_wait3A_53 : memref<8192x64xf32, #tpu.memory_space<hbm>>) dst(%dma_wait3A_47 : memref<128x64xf32, #tpu.memory_space<vmem>>)
    "tpu.region"() ({
      %run_scoped3A_60 = tpu.sem_alloc : memref<!tpu.dma_semaphore, #tpu.memory_space<semaphore_mem>>
      %dma_start3A_61 = arith.constant 0 : i32
      %dma_start3A_62 = arith.constant 0 : i32
      %dma_start3A_63 = tpu.memref_slice %arg6[%mul3A_2, %dma_start3A_61, %dma_start3A_62] : memref<64x128x64xf32, #tpu.memory_space<hbm>> -> memref<2x128x64xf32, #tpu.memory_space<hbm>>
      %dma_start3A_64 = arith.constant 0 : i32
      %dma_start3A_65 = arith.constant 0 : i32
      %dma_start3A_66 = tpu.memref_slice %arg6[%mul3A_2, %dma_start3A_64, %dma_start3A_65] : memref<64x128x64xf32, #tpu.memory_space<hbm>> -> memref<2x128x64xf32, #tpu.memory_space<hbm>>
      tpu.enqueue_dma source(%arg9 : memref<2x128x64xf32, #tpu.memory_space<vmem>>) target(%dma_start3A_66 : memref<2x128x64xf32, #tpu.memory_space<hbm>>) target_semaphore(%run_scoped3A_60 : memref<!tpu.dma_semaphore, #tpu.memory_space<semaphore_mem>>)
      %dma_wait3A_67 = arith.constant 0 : i32
      %dma_wait3A_68 = arith.constant 0 : i32
      %dma_wait3A_69 = tpu.memref_slice %arg6[%mul3A_2, %dma_wait3A_67, %dma_wait3A_68] : memref<64x128x64xf32, #tpu.memory_space<hbm>> -> memref<2x128x64xf32, #tpu.memory_space<hbm>>
      %dma_wait3A_70 = arith.constant 0 : i32
      %dma_wait3A_71 = arith.constant 0 : i32
      %dma_wait3A_72 = tpu.memref_slice %arg6[%mul3A_2, %dma_wait3A_70, %dma_wait3A_71] : memref<64x128x64xf32, #tpu.memory_space<hbm>> -> memref<2x128x64xf32, #tpu.memory_space<hbm>>
      tpu.wait_dma2 semaphore(%run_scoped3A_60 : memref<!tpu.dma_semaphore, #tpu.memory_space<semaphore_mem>>) src(%arg9 : memref<2x128x64xf32, #tpu.memory_space<vmem>>) dst(%dma_wait3A_72 : memref<2x128x64xf32, #tpu.memory_space<hbm>>)
      tpu.yield
    }) : () -> ()
    %barrier3A_54 = arith.constant 0 : index
    tpu.barrier barrier_id(%barrier3A_54)
    %eq3A_55 = arith.constant 0 : i32
    %eq3A_56 = arith.cmpi eq, %arg1, %eq3A_55 : i32
    %convert_element_type3A_57 = arith.extui %eq3A_56 : i1 to i32
    %cond3A_58 = arith.constant 0 : i32
    %cond3A_59 = arith.cmpi ne, %convert_element_type3A_57, %cond3A_58 : i32
    scf.if %cond3A_59 {
      "tpu.region"() ({
        %run_scoped3A_60 = tpu.sem_alloc : memref<!tpu.dma_semaphore, #tpu.memory_space<semaphore_mem>>
        %dma_start3A_61 = arith.constant 0 : i32
        %dma_start3A_62 = tpu.memref_slice %arg7[%arg0, %dma_start3A_61] : memref<2x8192xf32, #tpu.memory_space<hbm>> -> memref<1x8192xf32, #tpu.memory_space<hbm>>
        %dma_start3A_63 = tpu.memref_squeeze %dma_start3A_62 : memref<1x8192xf32, #tpu.memory_space<hbm>> -> memref<8192xf32, #tpu.memory_space<hbm>>
        tpu.enqueue_dma source(%arg11 : memref<8192xf32, #tpu.memory_space<vmem_shared>>) target(%dma_start3A_63 : memref<8192xf32, #tpu.memory_space<hbm>>) target_semaphore(%run_scoped3A_60 : memref<!tpu.dma_semaphore, #tpu.memory_space<semaphore_mem>>)
        %dma_wait3A_64 = arith.constant 0 : i32
        %dma_wait3A_65 = tpu.memref_slice %arg7[%arg0, %dma_wait3A_64] : memref<2x8192xf32, #tpu.memory_space<hbm>> -> memref<1x8192xf32, #tpu.memory_space<hbm>>
        %dma_wait3A_66 = tpu.memref_squeeze %dma_wait3A_65 : memref<1x8192xf32, #tpu.memory_space<hbm>> -> memref<8192xf32, #tpu.memory_space<hbm>>
        tpu.wait_dma2 semaphore(%run_scoped3A_60 : memref<!tpu.dma_semaphore, #tpu.memory_space<semaphore_mem>>) src(%arg11 : memref<8192xf32, #tpu.memory_space<vmem_shared>>) dst(%dma_wait3A_66 : memref<8192xf32, #tpu.memory_space<hbm>>)
        tpu.yield
      }) : () -> ()
    } else {
    }
    return
  }
}

module attributes {stable_mosaic.version = 14 : i64} {
  func.func @_argmin_body(%arg0: i32, %arg1: i32, %arg2: memref<1024x64xbf16, #tpu.memory_space<vmem>>, %arg3: memref<1024x64xbf16, #tpu.memory_space<vmem>>, %arg4: memref<1x1x1024xf32, #tpu.memory_space<vmem>>, %arg5: memref<1024x1xf32, #tpu.memory_space<vmem>>, %arg6: memref<1x1x1024xi32, #tpu.memory_space<vmem>>, %arg7: memref<1x1x1024xf32, #tpu.memory_space<vmem>>, %arg8: memref<1x1024xf32, #tpu.memory_space<vmem>>, %arg9: memref<1x1024xf32, #tpu.memory_space<vmem>>, %arg10: memref<1x1024xf32, #tpu.memory_space<vmem>>, %arg11: memref<1x1024xf32, #tpu.memory_space<vmem>>) attributes {dimension_semantics = [#tpu.dimension_semantics<arbitrary>, #tpu.dimension_semantics<arbitrary>], iteration_bounds = array<i64: 8, 8>, scalar_prefetch = 0 : i64, scratch_operands = 4 : i64, tpu.core_type = #tpu.core_type<tc>, window_params = [{transform_indices = @transform_0, window_bounds = array<i64: 1024, 64>}, {transform_indices = @transform_1, window_bounds = array<i64: 1024, 64>}, {transform_indices = @transform_2, window_bounds = array<i64: 1, 1, 1024>}, {transform_indices = @transform_3, window_bounds = array<i64: 1024, 1>}, {transform_indices = @transform_4, window_bounds = array<i64: 1, 1, 1024>}, {transform_indices = @transform_5, window_bounds = array<i64: 1, 1, 1024>}]} {
    %eq3A = arith.constant 0 : i32
    %eq3A_0 = arith.cmpi eq, %arg1, %eq3A : i32
    %convert_element_type3A = arith.extui %eq3A_0 : i1 to i32
    %cond3A = arith.constant 0 : i32
    %cond3A_1 = arith.cmpi ne, %convert_element_type3A, %cond3A : i32
    scf.if %cond3A_1 {
      %broadcast_in_dim3A_89 = arith.constant 0x7F800000 : f32
      %broadcast_in_dim3A_90 = vector.broadcast %broadcast_in_dim3A_89 : f32 to vector<1x1024xf32>
      %swap3A_91 = arith.constant 0 : index
      %swap3A_92 = arith.constant 0 : index
      %swap3A_93 = vector.load %arg10[%swap3A_91, %swap3A_92] : memref<1x1024xf32, #tpu.memory_space<vmem>>, vector<1x1024xf32>
      tpu.vector_store %arg10[%swap3A_91, %swap3A_92], %broadcast_in_dim3A_90 {strides = array<i32>} : memref<1x1024xf32, #tpu.memory_space<vmem>>, vector<1x1024xf32>,
      %broadcast_in_dim3A_94 = arith.constant 0.000000e+00 : f32
      %broadcast_in_dim3A_95 = vector.broadcast %broadcast_in_dim3A_94 : f32 to vector<1x1024xf32>
      %swap3A_96 = arith.constant 0 : index
      %swap3A_97 = arith.constant 0 : index
      %swap3A_98 = vector.load %arg11[%swap3A_96, %swap3A_97] : memref<1x1024xf32, #tpu.memory_space<vmem>>, vector<1x1024xf32>
      tpu.vector_store %arg11[%swap3A_96, %swap3A_97], %broadcast_in_dim3A_95 {strides = array<i32>} : memref<1x1024xf32, #tpu.memory_space<vmem>>, vector<1x1024xf32>,
    } else {
    }
    %jit3A = arith.constant 4 : i32
    %eq3A_2 = arith.constant 0 : i32
    %eq3A_3 = arith.cmpi eq, %jit3A, %eq3A_2 : i32
    %jit3A_4 = arith.constant 1 : i32
    %select_n3A = arith.select %eq3A_3, %jit3A_4, %jit3A : i32
    %rem3A = arith.remsi %arg1, %select_n3A : i32
    %ne3A = arith.constant 0 : i32
    %ne3A_5 = arith.cmpi ne, %rem3A, %ne3A : i32
    %lt3A = arith.constant 0 : i32
    %lt3A_6 = arith.cmpi slt, %rem3A, %lt3A : i32
    %lt3A_7 = arith.constant 0 : i32
    %lt3A_8 = arith.cmpi slt, %select_n3A, %lt3A_7 : i32
    %ne3A_9 = arith.xori %lt3A_6, %lt3A_8 : i1
    %and3A = arith.andi %ne3A_9, %ne3A_5 : i1
    %add3A = arith.addi %rem3A, %select_n3A : i32
    %select_n3A_10 = arith.select %and3A, %add3A, %rem3A : i32
    %eq3A_11 = arith.constant 0 : i32
    %eq3A_12 = arith.cmpi eq, %select_n3A_10, %eq3A_11 : i32
    %convert_element_type3A_13 = arith.extui %eq3A_12 : i1 to i32
    %cond3A_14 = arith.constant 0 : i32
    %cond3A_15 = arith.cmpi ne, %convert_element_type3A_13, %cond3A_14 : i32
    scf.if %cond3A_15 {
      %broadcast_in_dim3A_89 = arith.constant 0x7F800000 : f32
      %broadcast_in_dim3A_90 = vector.broadcast %broadcast_in_dim3A_89 : f32 to vector<1x1024xf32>
      %swap3A_91 = arith.constant 0 : index
      %swap3A_92 = arith.constant 0 : index
      %swap3A_93 = vector.load %arg8[%swap3A_91, %swap3A_92] : memref<1x1024xf32, #tpu.memory_space<vmem>>, vector<1x1024xf32>
      tpu.vector_store %arg8[%swap3A_91, %swap3A_92], %broadcast_in_dim3A_90 {strides = array<i32>} : memref<1x1024xf32, #tpu.memory_space<vmem>>, vector<1x1024xf32>,
      %broadcast_in_dim3A_94 = arith.constant 0.000000e+00 : f32
      %broadcast_in_dim3A_95 = vector.broadcast %broadcast_in_dim3A_94 : f32 to vector<1x1024xf32>
      %swap3A_96 = arith.constant 0 : index
      %swap3A_97 = arith.constant 0 : index
      %swap3A_98 = vector.load %arg9[%swap3A_96, %swap3A_97] : memref<1x1024xf32, #tpu.memory_space<vmem>>, vector<1x1024xf32>
      tpu.vector_store %arg9[%swap3A_96, %swap3A_97], %broadcast_in_dim3A_95 {strides = array<i32>} : memref<1x1024xf32, #tpu.memory_space<vmem>>, vector<1x1024xf32>,
    } else {
    }
    %get3A = arith.constant 0 : index
    %get3A_16 = arith.constant 0 : index
    %get3A_17 = vector.load %arg2[%get3A, %get3A_16] : memref<1024x64xbf16, #tpu.memory_space<vmem>>, vector<1024x64xbf16>
    %get3A_18 = arith.constant 0 : index
    %get3A_19 = arith.constant 0 : index
    %get3A_20 = vector.load %arg3[%get3A_18, %get3A_19] : memref<1024x64xbf16, #tpu.memory_space<vmem>>, vector<1024x64xbf16>
    %get3A_21 = arith.constant 0 : index
    %get3A_22 = arith.constant 0 : index
    %get3A_23 = arith.constant 0 : index
    %get3A_24 = vector.load %arg4[%get3A_21, %get3A_22, %get3A_23] : memref<1x1x1024xf32, #tpu.memory_space<vmem>>, vector<1x1x1024xf32>
    %reshape3A = vector.shape_cast %get3A_24 : vector<1x1x1024xf32> to vector<1x1024xf32>
    %get3A_25 = arith.constant 0 : index
    %get3A_26 = arith.constant 0 : index
    %get3A_27 = vector.load %arg5[%get3A_25, %get3A_26] : memref<1024x1xf32, #tpu.memory_space<vmem>>, vector<1024x1xf32>
    %dot_general3A = arith.constant dense<0.000000e+00> : vector<1024x1024xf32>
    %dot_general3A_28 = tpu.matmul %get3A_20, %get3A_17, %dot_general3A {dimension_numbers = #tpu.dot_dimension_numbers<[1], [1], [0], [0], [0, 0, 1, 0], [], []>, transpose_lhs_hint = false} : vector<1024x64xbf16>, vector<1024x64xbf16>, vector<1024x1024xf32> -> vector<1024x1024xf32>
    %add3A_29 = vector.broadcast %reshape3A : vector<1x1024xf32> to vector<1024x1024xf32>
    %add3A_30 = vector.broadcast %get3A_27 : vector<1024x1xf32> to vector<1024x1024xf32>
    %add3A_31 = arith.addf %add3A_29, %add3A_30 : vector<1024x1024xf32>
    %sub3A = arith.subf %add3A_31, %dot_general3A_28 : vector<1024x1024xf32>
    %reduce_min3A = arith.constant dense<0x7F800000> : vector<1024xf32>
    %reduce_min3A_32 = vector.multi_reduction <minimumf>, %sub3A, %reduce_min3A [0] : vector<1024x1024xf32> to vector<1024xf32>
    %broadcast_in_dim3A = vector.shape_cast %reduce_min3A_32 : vector<1024xf32> to vector<1x1024xf32>
    %iota3A = tpu.iota {dimensions = array<i32: 0>} : vector<1024x1024xi32>
    %convert_element_type3A_33 = arith.sitofp %iota3A : vector<1024x1024xi32> to vector<1024x1024xf32>
    %eq3A_34 = vector.broadcast %broadcast_in_dim3A : vector<1x1024xf32> to vector<1024x1024xf32>
    %eq3A_35 = arith.cmpf oeq, %sub3A, %eq3A_34 : vector<1024x1024xf32>
    %jit3A_36 = arith.constant 1.07374182E+9 : f32
    %broadcast_in_dim3A_37 = vector.broadcast %jit3A_36 : f32 to vector<1024x1024xf32>
    %select_n3A_38 = arith.select %eq3A_35, %convert_element_type3A_33, %broadcast_in_dim3A_37 : vector<1024x1024xi1>, vector<1024x1024xf32>
    %reduce_min3A_39 = arith.constant dense<0x7F800000> : vector<1024xf32>
    %reduce_min3A_40 = vector.multi_reduction <minimumf>, %select_n3A_38, %reduce_min3A_39 [0] : vector<1024x1024xf32> to vector<1024xf32>
    %broadcast_in_dim3A_41 = vector.shape_cast %reduce_min3A_40 : vector<1024xf32> to vector<1x1024xf32>
    %mul3A = arith.constant 1024 : i32
    %mul3A_42 = arith.muli %arg1, %mul3A : i32
    %convert_element_type3A_43 = arith.sitofp %mul3A_42 : i32 to f32
    %add3A_44 = vector.broadcast %convert_element_type3A_43 : f32 to vector<1x1024xf32>
    %add3A_45 = arith.addf %broadcast_in_dim3A_41, %add3A_44 : vector<1x1024xf32>
    %get3A_46 = arith.constant 0 : index
    %get3A_47 = arith.constant 0 : index
    %get3A_48 = vector.load %arg8[%get3A_46, %get3A_47] : memref<1x1024xf32, #tpu.memory_space<vmem>>, vector<1x1024xf32>
    %lt3A_49 = arith.cmpf olt, %broadcast_in_dim3A, %get3A_48 : vector<1x1024xf32>
    %get3A_50 = arith.constant 0 : index
    %get3A_51 = arith.constant 0 : index
    %get3A_52 = vector.load %arg9[%get3A_50, %get3A_51] : memref<1x1024xf32, #tpu.memory_space<vmem>>, vector<1x1024xf32>
    %select_n3A_53 = arith.select %lt3A_49, %add3A_45, %get3A_52 : vector<1x1024xi1>, vector<1x1024xf32>
    %swap3A = arith.constant 0 : index
    %swap3A_54 = arith.constant 0 : index
    %swap3A_55 = vector.load %arg9[%swap3A, %swap3A_54] : memref<1x1024xf32, #tpu.memory_space<vmem>>, vector<1x1024xf32>
    tpu.vector_store %arg9[%swap3A, %swap3A_54], %select_n3A_53 {strides = array<i32>} : memref<1x1024xf32, #tpu.memory_space<vmem>>, vector<1x1024xf32>,
    %get3A_56 = arith.constant 0 : index
    %get3A_57 = arith.constant 0 : index
    %get3A_58 = vector.load %arg8[%get3A_56, %get3A_57] : memref<1x1024xf32, #tpu.memory_space<vmem>>, vector<1x1024xf32>
    %select_n3A_59 = arith.select %lt3A_49, %broadcast_in_dim3A, %get3A_58 : vector<1x1024xi1>, vector<1x1024xf32>
    %swap3A_60 = arith.constant 0 : index
    %swap3A_61 = arith.constant 0 : index
    %swap3A_62 = vector.load %arg8[%swap3A_60, %swap3A_61] : memref<1x1024xf32, #tpu.memory_space<vmem>>, vector<1x1024xf32>
    tpu.vector_store %arg8[%swap3A_60, %swap3A_61], %select_n3A_59 {strides = array<i32>} : memref<1x1024xf32, #tpu.memory_space<vmem>>, vector<1x1024xf32>,
    %jit3A_63 = arith.constant 4 : i32
    %eq3A_64 = arith.constant 0 : i32
    %eq3A_65 = arith.cmpi eq, %jit3A_63, %eq3A_64 : i32
    %jit3A_66 = arith.constant 1 : i32
    %select_n3A_67 = arith.select %eq3A_65, %jit3A_66, %jit3A_63 : i32
    %rem3A_68 = arith.remsi %arg1, %select_n3A_67 : i32
    %ne3A_69 = arith.constant 0 : i32
    %ne3A_70 = arith.cmpi ne, %rem3A_68, %ne3A_69 : i32
    %lt3A_71 = arith.constant 0 : i32
    %lt3A_72 = arith.cmpi slt, %rem3A_68, %lt3A_71 : i32
    %lt3A_73 = arith.constant 0 : i32
    %lt3A_74 = arith.cmpi slt, %select_n3A_67, %lt3A_73 : i32
    %ne3A_75 = arith.xori %lt3A_72, %lt3A_74 : i1
    %and3A_76 = arith.andi %ne3A_75, %ne3A_70 : i1
    %add3A_77 = arith.addi %rem3A_68, %select_n3A_67 : i32
    %select_n3A_78 = arith.select %and3A_76, %add3A_77, %rem3A_68 : i32
    %eq3A_79 = arith.constant 3 : i32
    %eq3A_80 = arith.cmpi eq, %select_n3A_78, %eq3A_79 : i32
    %convert_element_type3A_81 = arith.extui %eq3A_80 : i1 to i32
    %cond3A_82 = arith.constant 0 : i32
    %cond3A_83 = arith.cmpi ne, %convert_element_type3A_81, %cond3A_82 : i32
    scf.if %cond3A_83 {
      %get3A_89 = arith.constant 0 : index
      %get3A_90 = arith.constant 0 : index
      %get3A_91 = vector.load %arg10[%get3A_89, %get3A_90] : memref<1x1024xf32, #tpu.memory_space<vmem>>, vector<1x1024xf32>
      %get3A_92 = arith.constant 0 : index
      %get3A_93 = arith.constant 0 : index
      %get3A_94 = vector.load %arg8[%get3A_92, %get3A_93] : memref<1x1024xf32, #tpu.memory_space<vmem>>, vector<1x1024xf32>
      %lt3A_95 = arith.cmpf olt, %get3A_94, %get3A_91 : vector<1x1024xf32>
      %get3A_96 = arith.constant 0 : index
      %get3A_97 = arith.constant 0 : index
      %get3A_98 = vector.load %arg9[%get3A_96, %get3A_97] : memref<1x1024xf32, #tpu.memory_space<vmem>>, vector<1x1024xf32>
      %get3A_99 = arith.constant 0 : index
      %get3A_100 = arith.constant 0 : index
      %get3A_101 = vector.load %arg11[%get3A_99, %get3A_100] : memref<1x1024xf32, #tpu.memory_space<vmem>>, vector<1x1024xf32>
      %select_n3A_102 = arith.select %lt3A_95, %get3A_98, %get3A_101 : vector<1x1024xi1>, vector<1x1024xf32>
      %swap3A_103 = arith.constant 0 : index
      %swap3A_104 = arith.constant 0 : index
      %swap3A_105 = vector.load %arg11[%swap3A_103, %swap3A_104] : memref<1x1024xf32, #tpu.memory_space<vmem>>, vector<1x1024xf32>
      tpu.vector_store %arg11[%swap3A_103, %swap3A_104], %select_n3A_102 {strides = array<i32>} : memref<1x1024xf32, #tpu.memory_space<vmem>>, vector<1x1024xf32>,
      %get3A_106 = arith.constant 0 : index
      %get3A_107 = arith.constant 0 : index
      %get3A_108 = vector.load %arg8[%get3A_106, %get3A_107] : memref<1x1024xf32, #tpu.memory_space<vmem>>, vector<1x1024xf32>
      %select_n3A_109 = arith.select %lt3A_95, %get3A_108, %get3A_91 : vector<1x1024xi1>, vector<1x1024xf32>
      %convert_element_type3A_110 = arith.truncf %select_n3A_109 : vector<1x1024xf32> to vector<1x1024xbf16>
      %convert_element_type3A_111 = arith.extf %convert_element_type3A_110 : vector<1x1024xbf16> to vector<1x1024xf32>
      %swap3A_112 = arith.constant 0 : index
      %swap3A_113 = arith.constant 0 : index
      %swap3A_114 = vector.load %arg10[%swap3A_112, %swap3A_113] : memref<1x1024xf32, #tpu.memory_space<vmem>>, vector<1x1024xf32>
      tpu.vector_store %arg10[%swap3A_112, %swap3A_113], %convert_element_type3A_111 {strides = array<i32>} : memref<1x1024xf32, #tpu.memory_space<vmem>>, vector<1x1024xf32>,
    } else {
    }
    %eq3A_84 = arith.constant 7 : i32
    %eq3A_85 = arith.cmpi eq, %arg1, %eq3A_84 : i32
    %convert_element_type3A_86 = arith.extui %eq3A_85 : i1 to i32
    %cond3A_87 = arith.constant 0 : i32
    %cond3A_88 = arith.cmpi ne, %convert_element_type3A_86, %cond3A_87 : i32
    scf.if %cond3A_88 {
      %get3A_89 = arith.constant 0 : index
      %get3A_90 = arith.constant 0 : index
      %get3A_91 = vector.load %arg11[%get3A_89, %get3A_90] : memref<1x1024xf32, #tpu.memory_space<vmem>>, vector<1x1024xf32>
      %convert_element_type3A_92 = arith.fptosi %get3A_91 : vector<1x1024xf32> to vector<1x1024xi32>
      %reshape3A_93 = vector.shape_cast %convert_element_type3A_92 : vector<1x1024xi32> to vector<1x1x1024xi32>
      %swap3A_94 = arith.constant 0 : index
      %swap3A_95 = arith.constant 0 : index
      %swap3A_96 = arith.constant 0 : index
      %swap3A_97 = vector.load %arg6[%swap3A_94, %swap3A_95, %swap3A_96] : memref<1x1x1024xi32, #tpu.memory_space<vmem>>, vector<1x1x1024xi32>
      tpu.vector_store %arg6[%swap3A_94, %swap3A_95, %swap3A_96], %reshape3A_93 {strides = array<i32>} : memref<1x1x1024xi32, #tpu.memory_space<vmem>>, vector<1x1x1024xi32>,
      %get3A_98 = arith.constant 0 : index
      %get3A_99 = arith.constant 0 : index
      %get3A_100 = vector.load %arg10[%get3A_98, %get3A_99] : memref<1x1024xf32, #tpu.memory_space<vmem>>, vector<1x1024xf32>
      %reshape3A_101 = vector.shape_cast %get3A_100 : vector<1x1024xf32> to vector<1x1x1024xf32>
      %swap3A_102 = arith.constant 0 : index
      %swap3A_103 = arith.constant 0 : index
      %swap3A_104 = arith.constant 0 : index
      %swap3A_105 = vector.load %arg7[%swap3A_102, %swap3A_103, %swap3A_104] : memref<1x1x1024xf32, #tpu.memory_space<vmem>>, vector<1x1x1024xf32>
      tpu.vector_store %arg7[%swap3A_102, %swap3A_103, %swap3A_104], %reshape3A_101 {strides = array<i32>} : memref<1x1x1024xf32, #tpu.memory_space<vmem>>, vector<1x1x1024xf32>,
    } else {
    }
    return
  }
  func.func @transform_0(%arg0: i32, %arg1: i32) -> (i32, i32) {
    %c0_i32 = arith.constant 0 : i32
    %c0_i32_0 = arith.constant 0 : i32
    return %arg0, %c0_i32 : i32, i32
  }
  func.func @transform_1(%arg0: i32, %arg1: i32) -> (i32, i32) {
    %c0_i32 = arith.constant 0 : i32
    %c0_i32_0 = arith.constant 0 : i32
    return %arg1, %c0_i32 : i32, i32
  }
  func.func @transform_2(%arg0: i32, %arg1: i32) -> (i32, i32, i32) {
    %c0_i32 = arith.constant 0 : i32
    %c0_i32_0 = arith.constant 0 : i32
    %c0_i32_1 = arith.constant 0 : i32
    return %arg0, %c0_i32, %c0_i32_0 : i32, i32, i32
  }
  func.func @transform_3(%arg0: i32, %arg1: i32) -> (i32, i32) {
    %c0_i32 = arith.constant 0 : i32
    %c0_i32_0 = arith.constant 0 : i32
    return %arg1, %c0_i32 : i32, i32
  }
  func.func @transform_4(%arg0: i32, %arg1: i32) -> (i32, i32, i32) {
    %c0_i32 = arith.constant 0 : i32
    %c0_i32_0 = arith.constant 0 : i32
    %c0_i32_1 = arith.constant 0 : i32
    return %arg0, %c0_i32, %c0_i32_0 : i32, i32, i32
  }
  func.func @transform_5(%arg0: i32, %arg1: i32) -> (i32, i32, i32) {
    %c0_i32 = arith.constant 0 : i32
    %c0_i32_0 = arith.constant 0 : i32
    %c0_i32_1 = arith.constant 0 : i32
    return %arg0, %c0_i32, %c0_i32_0 : i32, i32, i32
  }
}

module attributes {stable_mosaic.version = 14 : i64} {
  func.func @_final_body(%arg0: memref<8x1x1024xf32, #tpu.memory_space<vmem>>, %arg1: memref<2x8192xf32, #tpu.memory_space<vmem>>, %arg2: memref<1x1xf32, #tpu.memory_space<smem>>, %arg3: memref<1x1xf32, #tpu.memory_space<smem>>) attributes {dimension_semantics = [], scalar_prefetch = 0 : i64, scratch_operands = 0 : i64, tpu.core_type = #tpu.core_type<tc>} {
    %get3A = arith.constant 0 : index
    %get3A_0 = arith.constant 0 : index
    %get3A_1 = arith.constant 0 : index
    %get3A_2 = vector.load %arg0[%get3A, %get3A_0, %get3A_1] : memref<8x1x1024xf32, #tpu.memory_space<vmem>>, vector<8x1x1024xf32>
    %reduce_sum3A = vector.shape_cast %get3A_2 : vector<8x1x1024xf32> to vector<1x8x1x1024xf32>
    %reduce_sum3A_3 = arith.constant dense<0.000000e+00> : vector<1xf32>
    %reduce_sum3A_4 = vector.multi_reduction <add>, %reduce_sum3A, %reduce_sum3A_3 [1, 2, 3] : vector<1x8x1x1024xf32> to vector<1xf32>
    %reduce_sum3A_5 = vector.shape_cast %reduce_sum3A_4 : vector<1xf32> to vector<1x1x1x1xf32>
    %reduce_sum3A_6 = vector.extract %reduce_sum3A_5[0, 0, 0, 0] : f32 from vector<1x1x1x1xf32>
    %mul3A = arith.constant 4.76837158E-7 : f32
    %mul3A_7 = arith.mulf %reduce_sum3A_6, %mul3A : f32
    %swap3A = arith.constant 0 : index
    %swap3A_8 = arith.constant 0 : index
    %swap3A_9 = memref.load %arg2[%swap3A, %swap3A_8] : memref<1x1xf32, #tpu.memory_space<smem>>
    memref.store %mul3A_7, %arg2[%swap3A, %swap3A_8] : memref<1x1xf32, #tpu.memory_space<smem>>
    %get3A_10 = arith.constant 0 : index
    %get3A_11 = arith.constant 0 : index
    %get3A_12 = vector.load %arg1[%get3A_10, %get3A_11] : memref<2x8192xf32, #tpu.memory_space<vmem>>, vector<1x8192xf32>
    %get3A_13 = arith.constant 1 : index
    %get3A_14 = arith.constant 0 : index
    %get3A_15 = vector.load %arg1[%get3A_13, %get3A_14] : memref<2x8192xf32, #tpu.memory_space<vmem>>, vector<1x8192xf32>
    %add3A = arith.addf %get3A_12, %get3A_15 : vector<1x8192xf32>
    %mul3A_16 = arith.constant 1.22070313E-4 : f32
    %mul3A_17 = vector.broadcast %mul3A_16 : f32 to vector<1x8192xf32>
    %mul3A_18 = arith.mulf %add3A, %mul3A_17 : vector<1x8192xf32>
    %add3A_19 = arith.constant 9.99999974E-6 : f32
    %add3A_20 = vector.broadcast %add3A_19 : f32 to vector<1x8192xf32>
    %add3A_21 = arith.addf %mul3A_18, %add3A_20 : vector<1x8192xf32>
    %log3A = math.log %add3A_21 : vector<1x8192xf32>
    %mul3A_22 = arith.mulf %mul3A_18, %log3A : vector<1x8192xf32>
    %reduce_sum3A_23 = vector.shape_cast %mul3A_22 : vector<1x8192xf32> to vector<1x1x8192xf32>
    %reduce_sum3A_24 = arith.constant dense<0.000000e+00> : vector<1xf32>
    %reduce_sum3A_25 = vector.multi_reduction <add>, %reduce_sum3A_23, %reduce_sum3A_24 [1, 2] : vector<1x1x8192xf32> to vector<1xf32>
    %reduce_sum3A_26 = vector.shape_cast %reduce_sum3A_25 : vector<1xf32> to vector<1x1x1xf32>
    %reduce_sum3A_27 = vector.extract %reduce_sum3A_26[0, 0, 0] : f32 from vector<1x1x1xf32>
    %neg3A = arith.constant 0.000000e+00 : f32
    %neg3A_28 = arith.subf %neg3A, %reduce_sum3A_27 : f32
    %exp3A = math.exp %neg3A_28 : f32
    %swap3A_29 = arith.constant 0 : index
    %swap3A_30 = arith.constant 0 : index
    %swap3A_31 = memref.load %arg3[%swap3A_29, %swap3A_30] : memref<1x1xf32, #tpu.memory_space<smem>>
    memref.store %exp3A, %arg3[%swap3A_29, %swap3A_30] : memref<1x1xf32, #tpu.memory_space<smem>>
    return
  }
}

</mosaic_0001>

<sc_bundles>
// kernel: kernel.5.cloned.1.call-start
scs
__scs_entry_jumppad:
0x0: {  	(pc) =	sbr.rel $0x88, $3  }
0x1: {  	(tag) =	ssettag $0x0;
	lr =	simm.s32 $0x1  }
0x2: {  	[smem:$0x3F9F] =	sst lr;
	_ =	strace $0xD0000000  }
0x3: {  	_ = 	snop  }
0x4: {  	_ = 	snop  }
0x5: {  	_ = 	snop  }
0x6: {  	_ = 	snop  }
0x7: {  	_ = 	snop  }
__scs_overlays_trampoline_lowered:
0x8: {  	[smem:$0x3FAE] =	sst s0  }
0x9: {  	[smem:$0x3FAF] =	sst s1  }
0xa: {  	[smem:$0x3FB0] =	sst s2  }
0xb: {  	[smem:$0x3FB1] =	sst s3  }
0xc: {  	[smem:$0x3FB2] =	sst s4  }
0xd: {  	[smem:$0x3FB3] =	sst s5  }
0xe: {  	[smem:$0x3FB4] =	sst s6  }
0xf: {  	[smem:$0x3FB5] =	sst s7  }
0x10: {  	[smem:$0x3FB6] =	sst s8  }
0x11: {  	[smem:$0x3FB7] =	sst s9;
	s0 =	simm.s32 @!p0 $0x0  }
0x12: {  	s1 =	sld [smem:$0x3F9D];
	s0 =	simm.s32 @p0 $0x1  }
0x13: {  	[smem:$0x3FB8] =	sst s0;
	s0 =	simm.s32 @!p1 $0x0  }
0x14: {  	s2 =	sld [smem:$0x3F9C];
	s0 =	simm.s32 @p1 $0x1  }
0x15: {  	[smem:$0x3FB9] =	sst s0;
	s0 =	simm.s32 @!p2 $0x0  }
0x16: {  	s3 =	sld [smem:$0x3FDB];
	s0 =	simm.s32 @p2 $0x1  }
0x17: {  	s4 =	simm.s32 $0x1BF5;
	[smem:$0x3FBB] =	sst s0  }
0x18: {  	s0 =	sld [smem:$0x3F9E];
	_ =	swait.ge [sflag:s4], $0x0  }
0x19: {  	s7 =	sld [smem:$0x3F9F]  }
0x1a: {  	s8 =	sadd.s32 $0xFFFFE003, lr  }
0x1b: {  	s9 =	sadd.s32 $0xFFFFFEF7, lr;
	s5 =	simm.s32 $0xFFFFFFFF;
	p2 =	slt.u32 s8, $0xFFFFF086  }
0x1c: {  	p1 =	slt.u32 s9, $0xF7A;
	s5 =	simm.s32 @!p2 $0x0  }
0x1d: {  	s5 =	simm.s32 @p1 $0x1;
	p0 =	seq.s32 s7, s2  }
0x1e: {  	s7 =	smul.u32 @!p0 $0xF7A, s2;
	p2 =	seq.s32 @!p0 s5, $0x0  }
0x1f: {  	s9 =	smul.u32 $0xF7A, s1;
	s8 =	simm.s32 @!p0 $0x1BF5;
	p2 =	por !p2, p0  }
0x20: {  	[sflag:s8] =	ssyncset.s32 @!p0 $0xFFFFF086;
	s6 =	sadd.s32 @!p0 s3, s7;
	s7 =	simm.s32 @!p0 $0x108  }
0x21: {  	s3 =	sadd.s32 s3, s9;
	s6 =	sadd.s32 @!p0 $0x88, s6;
	s7 =	simm.s32 @p2 $0x1082  }
0x22: {  	[simem:s7], [sflag:s8] =	dma.local @!p0 [hbm:s6], $0xF7A  }
0x23: {  	s9 =	sor.u32 $0xD0000000, s2;
	s6 =	simm.s32 $0x108;
	_ =	swait.ge @!p0 [sflag:s8], $0x0  }
0x24: {  	s3 =	sadd.s32 $0x88, s3;
	s6 =	simm.s32 @!p1 $0x1082;
	[sflag:s4] =	ssyncset.s32 $0xFFFFF086  }
0x25: {  	[simem:s6], [sflag:s4] =	dma.local [hbm:s3], $0xF7A  }
0x26: {  	[smem:$0x3F9F] =	sst s1;
	(tag) =	ssettag s2;
	_ =	strace s9  }
0x27: {  	s1 =	sld [smem:$0x3FAF]  }
0x28: {  	s2 =	sld [smem:$0x3FB0]  }
0x29: {  	s4 =	sld [smem:$0x3FB2]  }
0x2a: {  	p0 =	seq.s32 s5, $0x0;
	s5 =	sld [smem:$0x3FB3]  }
0x2b: {  	s6 =	sld [smem:$0x3FB4]  }
0x2c: {  	s7 =	sld [smem:$0x3FB5]  }
0x2d: {  	s3 =	simm.s32 $0x108;
	s8 =	sld [smem:$0x3FB6]  }
0x2e: {  	s3 =	simm.s32 @!p0 $0x1082;
	s9 =	sld [smem:$0x3FB7]  }
0x2f: {  	lr =	sadd.s32 s0, s3;
	s0 =	sld [smem:$0x3FAE]  }
0x30: {  	s3 =	sld [smem:$0x3FB1]  }
0x31: {  	[smem:$0x3FBA] =	sst s10  }
0x32: {  	s10 =	sld [smem:$0x3FB8];
	_ =	sdelay $0x3  }
0x33: {  	p0 =	seq.s32 s10, $0x1;
	s10 =	sld [smem:$0x3FBA];
	_ =	sdelay $0x3  }
0x34: {  	[smem:$0x3FBA] =	sst s10  }
0x35: {  	s10 =	sld [smem:$0x3FB9];
	_ =	sdelay $0x3  }
0x36: {  	p1 =	seq.s32 s10, $0x1;
	s10 =	sld [smem:$0x3FBA];
	_ =	sdelay $0x3  }
0x37: {  	[smem:$0x3FBA] =	sst s10  }
0x38: {  	s10 =	sld [smem:$0x3FBB]  }
0x39: {  	_ = 	snop;
	(pc) =	sbr.ind lr, $3  }
0x3a: {  	_ = 	snop  }
0x3b: {  	_ = 	snop  }
0x3c: {  	p2 =	seq.s32 s10, $0x1;
	s10 =	sld [smem:$0x3FBA]  }
0x3d: {  	_ =	shalt  }
0x3e: {  	_ =	shalt  }
0x3f: {  	_ =	shalt  }
0x40: {  	_ =	shalt  }
0x41: {  	_ =	shalt  }
0x42: {  	_ =	shalt  }
0x43: {  	_ =	shalt  }
0x44: {  	_ =	shalt  }
0x45: {  	_ =	shalt  }
0x46: {  	_ =	shalt  }
0x47: {  	_ =	shalt  }
0x48: {  	_ =	shalt  }
0x49: {  	_ =	shalt  }
0x4a: {  	_ =	shalt  }
0x4b: {  	_ =	shalt  }
0x4c: {  	_ =	shalt  }
0x4d: {  	_ =	shalt  }
0x4e: {  	_ =	shalt  }
0x4f: {  	_ =	shalt  }
0x50: {  	_ =	shalt  }
0x51: {  	_ =	shalt  }
0x52: {  	_ =	shalt  }
0x53: {  	_ =	shalt  }
0x54: {  	_ =	shalt  }
0x55: {  	_ =	shalt  }
0x56: {  	_ =	shalt  }
0x57: {  	_ =	shalt  }
0x58: {  	_ =	shalt  }
0x59: {  	_ =	shalt  }
0x5a: {  	_ =	shalt  }
0x5b: {  	_ =	shalt  }
0x5c: {  	_ =	shalt  }
0x5d: {  	_ =	shalt  }
0x5e: {  	_ =	shalt  }
0x5f: {  	_ =	shalt  }
0x60: {  	_ =	shalt  }
0x61: {  	_ =	shalt  }
0x62: {  	_ =	shalt  }
0x63: {  	_ =	shalt  }
0x64: {  	_ =	shalt  }
0x65: {  	_ =	shalt  }
0x66: {  	_ =	shalt  }
0x67: {  	_ =	shalt  }
0x68: {  	_ =	shalt  }
0x69: {  	_ =	shalt  }
0x6a: {  	_ =	shalt  }
0x6b: {  	_ =	shalt  }
0x6c: {  	_ =	shalt  }
0x6d: {  	_ =	shalt  }
0x6e: {  	_ =	shalt  }
0x6f: {  	_ =	shalt  }
0x70: {  	_ =	shalt  }
0x71: {  	_ =	shalt  }
0x72: {  	_ =	shalt  }
0x73: {  	_ =	shalt  }
0x74: {  	_ =	shalt  }
0x75: {  	_ =	shalt  }
0x76: {  	_ =	shalt  }
0x77: {  	_ =	shalt  }
0x78: {  	_ =	shalt  }
0x79: {  	_ =	shalt  }
0x7a: {  	_ =	shalt  }
0x7b: {  	_ =	shalt  }
0x7c: {  	_ =	shalt  }
0x7d: {  	_ =	shalt  }
0x7e: {  	_ =	shalt  }
0x7f: {  	_ =	shalt  }
0x80: {  	_ =	shalt  }
0x81: {  	_ =	shalt  }
0x82: {  	_ =	shalt  }
0x83: {  	_ =	shalt  }
0x84: {  	_ =	shalt  }
0x85: {  	_ =	shalt  }
0x86: {  	_ =	shalt  }
0x87: {  	_ =	shalt  }
.Lfunc_end0:
.L_simem_size_0:
called_computation_lowered:
.L_overlay_start_0:
0x88: {  	s2 =	sld [smem:$0x3FD9]  }
0x89: {  	s3 =	sld [smem:$0x3FFE];
	_ =	sdelay $0x1  }
0x8a: {  	s1 =	srdreg.scid  }
0x8b: {  	s0 =	sand.u32 $0x1, s1  }
0x8c: {  	s14 =	sshll.u32 s0, $0xA;
	s2 =	sadd.s32 s3, s2  }
0x8d: {  	s2 =	sadd.s32 s2, s14  }
0x8e: {  	[smem:$0x3FC6] =	sst s2  }
0x8f: {  	_ = 	snop  }
0x90: {  	s2 =	sld [smem:$0x3FD0];
	_ =	sdelay $0x2  }
0x91: {  	s15 =	simm.s32 $0xA;
	s4 =	simm.s32 $0x10  }
0x92: {  	[smem:s4], [sflag:s15] =	dma.local [hbm:s2], $0x1  }
0x93: {  	_ =	swait.eq [sflag:s15], $0x1  }
0x94: {  	[sflag:s15] =	ssyncset.done $0x0  }
0x95: {  	[sflag:s15] =	ssyncadd.s32 $0xFFFFFFFF  }
0x96: {  	s16 =	sld [smem:$0x10];
	(tm) =	ssettm $0x1  }
0x97: {  	s17 =	sld [smem:$0x3FFB];
	_ =	sdelay $0x3  }
0x98: {  	_ =	strace s17  }
0x99: {  	s3 =	sld [smem:$0x3FFC];
	_ =	sdelay $0x3  }
0x9a: {  	_ =	strace s3  }
0x9b: {  	s3 =	sld [smem:$0x3FFD];
	_ =	sdelay $0x3  }
0x9c: {  	_ =	strace s3  }
0x9d: {  	_ =	strace $0x8FFFFFFF  }
0x9e: {  	s18 =	sld [smem:$0x3FDB];
	_ =	sdelay $0x1  }
0x9f: {  	s19 =	simm.s32 $_scs_section_size  }
0xa0: {  	s5 =	simm.s32 $_size__tile_overlayer_lowered;
	s6 =	simm.s32 $_tile_overlayer_lowered  }
0xa1: {  	s22 =	simm.s32 $0x1BFF;
	s21 =	sshll.u32 s6, $0x1;
	s3 =	sadd.s32 s19, s18  }
0xa2: {  	s7 =	simm.s32 $0x0;
	s20 =	sshll.u32 s5, $0x1;
	s5 =	sadd.s32 s21, s3  }
0xa3: {  	[timem:s7], [sflag:s22] =	dma.local [hbm:s5], s20  }
0xa4: {  	_ =	swait.ge [sflag:s22], s20  }
0xa5: {  	s4 =	ssub.s32 $0x0, s20;
	[sflag:s22] =	ssyncset.done $0x0  }
0xa6: {  	[sflag:s22] =	ssyncadd.s32 s4;
	_ =	sdelay $0x1  }
0xa7: {  	s23 =	simm.s32 $0x1B8B  }
0xa8: {  	_ =	swait.ge [sflag:s23], $0x1  }
0xa9: {  	[sflag:s23] =	ssyncset.done $0x0  }
0xaa: {  	s25 =	simm.s32 $0x1B8E;
	s24 =	sld [smem:$0x3FFE];
	[sflag:s23] =	ssyncadd.s32 $0xFFFFFFFF  }
0xab: {  	s26 =	simm.s32 $execute0_lowered;
	[smem:$0x3FD2] =	sst s25  }
0xac: {  	s5 =	sshll.u32 s26, $0x1;
	_ =	strace $0x80000046;
	[dreg:$0x1] =	wrdreg $0xFFFFFFFF  }
0xad: {  	s28 =	simm.s32 $_size_execute0_lowered;
	s3 =	sadd.s32 s3, s5;
	[dreg:$0x0] =	wrdreg $0x0  }
0xae: {  	s5 =	sshll.u32 s28, $0x1;
	[dreg:$0x2] =	wrdreg s3  }
0xaf: {  	[dreg:$0x3] =	wrdreg s5  }
0xb0: {  	[dreg:$0x4] =	wrdreg $0xC0  }
0xb1: {  	_ =	task [dreg:s7], $0x5FFFF  }
0xb2: {  	[dreg:$0x1] =	wrdreg $0xFFFFFFFF  }
0xb3: {  	[dreg:$0x0] =	wrdreg $0x60  }
0xb4: {  	[dreg:$0x2] =	wrdreg s24  }
0xb5: {  	[dreg:$0x3] =	wrdreg s16  }
0xb6: {  	[dreg:$0x4] =	wrdreg $0x42000  }
0xb7: {  	[dreg:$0x5] =	wrdreg $0x9  }
0xb8: {  	_ =	task.clear_ibuf [dreg:s7], $0x6FFFF;
	_ =	strace $0x90000046  }
0xb9: {  	s29 =	simm.s32 $0x9;
	_ =	strace $0x80000048  }
0xba: {  	_ =	swait.ge [sflag:s29], $0x1  }
0xbb: {  	[sflag:s29] =	ssyncadd.s32 $0xFFFFFFFF  }
0xbc: {  	_ =	strace $0x90000048  }
0xbd: {  	_ =	sfence  }
0xbe: {  	s30 =	sld [smem:$0x0];
	_ =	sdelay $0x2  }
0xbf: {  	s31 =	sshll.u32 s1, $0xD;
	s1 =	sshrl.u32 s1, $0x2  }
0xc0: {  	s3 =	sand.u32 $0x4000, s31;
	s1 =	sadd.s32 s1, s30  }
0xc1: {  	s0 =	sor.u32 s3, s0;
	s1 =	sshll.u32 s1, $0x11  }
0xc2: {  	s0 =	sor.u32 s1, s0  }
0xc3: {  	s0 =	sadd.s32 $0x8F2B, s0  }
0xc4: {  	[sflag:s0] =	ssyncadd.remote.s32 $0x1  }
0xc5: {  	_ =	sfence.sel $0xFFFF  }
0xc6: {  	[dreg:$0x0] =	wrdreg $0xFFFFFFFF;
	(pc) =	sbr.abs _section_cstart, $3  }
0xc7: {  	[dreg:$0x1] =	wrdreg $0xFFFFFFFF  }
0xc8: {  	_ =	task.clear_ibuf [dreg:s7], $0x2FFFF;
	_ =	strace $0x9FFFFFFF  }
0xc9: {  	(tm) =	ssettm $0x7FFFFFFF  }
tec
execute0_lowered:
.L_overlay_start_1:
0x0: {  	(tag) =	ssettag $0x1  }
0x1: {  	s4 =	rddreg [dreg:$0x0]  }
0x2: {  	s0 =	srdreg.scid;
	s3 =	rddreg [dreg:$0x1]  }
0x3: {  	s5 =	stileid.u32;
	s2 =	rddreg [dreg:$0x2]  }
0x4: {  	s1 =	simm.s32 $0x0;
	s13 =	simm.s32 $0x4100;
	s6 =	sand.u32 $0x1, s0  }
0x5: {  	s16 =	simm.s32 $0x2100;
	s14 =	simm.s32 $0x4180;
	s10 =	ssub.s32 $0x2, s6  }
0x6: {  	p1 =	por $0x0, $0x0;
	s0 =	rddreg [dreg:$0x3];
	s11 =	sshrl.u32 s10, $0x1  }
0x7: {  	s7 =	sshll.u32 s5, $0x2;
	[smem:$0x7FF] =	sst s1;
	s10 =	ssub.s32 s10, s11  }
0x8: {  	s12 =	sadd.s32 $0xA00, s4;
	s9 =	sadd.s32 $0xE00, s4;
	s31 =	smax.u32 s10, $0x1  }
0x9: {  	p0 =	sne.s32 s5, $0x0;
	s8 =	sshll.u32 s6, $0x1;
	s19 =	sadd.s32 $0xFFFFFFFF, s31  }
0xa: {  	_ =	strace $0x80000047;
	s6 =	sshll.u32 s6, $0xA;
	p2 =	sne.s32 s19, $0x0  }
.Ltmp0:
0xb: {  	s5 =	sshrl.u32 @!p0 s2, $0x3;
	s7 =	sor.u32 s8, s7;
	(pc) =	sbr.rel @!p2 .LBB2_3-.Ltmp0, $4  }
0xc: {  	s8 =	sshll.u32 s7, $0x4;
	s7 =	sshll.u32 s7, $0xA;
	s11 =	simm.s32 $0x80  }
0xd: {  	s8 =	sadd.s32 s8, s4;
	s7 =	sadd.s32 s7, s4;
	s4 =	sadd.s32 s6, s4  }
0xe: {  	s10 =	simm.s32 $0x1;
	s15 =	sadd.s32 $0x600, s8;
	s6 =	sadd.s32 $0x1800, s7  }
0xf: {  	s4 =	sadd.s32 $0x1000, s4;
	s7 =	simm.s32 $0x2;
	s8 =	simm.s32 $0x100  }
0x10: {  	s18 =	simm.s32 @!p0 $0x1C02;
	s17 =	simm.s32 @!p0 $0x2  }
0x11: {  	[spmem:s5], [sflag:s18] =	dma.local @!p0 [hbm:s12], $0x400  }
0x12: {  	_ =	swait.ge @!p0 [sflag:s17], $0x400  }
0x13: {  	[sflag:s17] =	ssyncset.done @!p0 $0x0  }
0x14: {  	[sflag:s17] =	ssyncadd.s32 @!p0 $0xFFFFFC00  }
0x15: {  	[tilespmem:s1], [sflag:$0x2] =	stream.linear.gather [hbm4b:s15+s1], $0x100, $0x38;
	[tilespmem:$0x4400] =	vst v63  }
0x16: {  	_ =	swait.ge [sflag:s7], $0x100  }
0x17: {  	[sflag:s7] =	ssyncset.done $0x0  }
0x18: {  	[sflag:s7] =	ssyncadd.s32 $0xFFFFFF00  }
0x19: {  	[tilespmem:s13], [sflag:$0x2] =	stream.linear.gather [hbm4b:s9+s1], $0x100, $0x38;
	[tilespmem:$0x4400] =	vst v63  }
0x1a: {  	_ =	swait.ge [sflag:s7], $0x100  }
0x1b: {  	[sflag:s7] =	ssyncset.done $0x0  }
0x1c: {  	[sflag:s7] =	ssyncadd.s32 $0xFFFFFF00  }
0x1d: {  	[tilespmem:s8], [sflag:$0x1] =	stream.indirect.gather [hbm4b:s3+s11], $0x40, s1, s11, $0xb8;
	[tilespmem:$0x4400] =	vst v63  }
0x1e: {  	_ = 	snop  }
0x1f: {  	[tilespmem:s16], [sflag:$0x1] =	stream.indirect.gather [hbm4b:s3+s11], $0x40, s11, s11, $0xb8;
	[tilespmem:$0x4400] =	vst v63  }
0x20: {  	[bflag:$0x0] =	sbarrier.arrive $0xFFFF  }
0x21: {  	[spmem:s2] =	stream.indirect.scatter.add.f32 [tilespmem:s13], [sflag:$0x2], $0x1, s1, s11, $0xb8;
	[tilespmem:$0x4400] =	vst v63  }
0x22: {  	_ =	swait.ge [sflag:s7], $0x80  }
0x23: {  	[sflag:s7] =	ssyncset.done $0x0  }
0x24: {  	[sflag:s7] =	ssyncadd.s32 $0xFFFFFF80  }
0x25: {  	[spmem:s2] =	stream.indirect.scatter.add.f32 [tilespmem:s14], [sflag:$0x2], $0x1, s11, s11, $0xb8;
	[tilespmem:$0x4400] =	vst v63  }
0x26: {  	_ =	swait.ge [sflag:s7], $0x80  }
0x27: {  	[sflag:s7] =	ssyncset.done $0x0  }
0x28: {  	[sflag:s7] =	ssyncadd.s32 $0xFFFFFF80  }
0x29: {  	_ =	swait.ge [sflag:s10], $0x2000  }
0x2a: {  	[sflag:s10] =	ssyncset.done $0x0  }
0x2b: {  	[sflag:s10] =	ssyncadd.s32 $0xFFFFE000  }
0x2c: {  	_ =	swait.ge [sflag:s10], $0x2000  }
0x2d: {  	[sflag:s10] =	ssyncset.done $0x0  }
0x2e: {  	[sflag:s10] =	ssyncadd.s32 $0xFFFFE000  }
0x2f: {  	[hbm4b:s6+s1] =	stream.linear.scatter [tilespmem:s8], [sflag:$0x2], $0x4000, $0x38;
	[tilespmem:$0x4400] =	vst v63  }
0x30: {  	s19 =	sadd.s32 $0xFFFFFFFF, s19;
	_ =	swait.ge [sflag:s7], $0x4000  }
0x31: {  	p2 =	sne.s32 s19, $0x0;
	[sflag:s7] =	ssyncset.done $0x0  }
.Ltmp1:
0x32: {  	[sflag:s7] =	ssyncadd.s32 $0xFFFFC000;
	(pc) =	sbr.rel @!p2 .LBB2_3-.Ltmp1, $4  }
0x33: {  	[bflag:$0x0] =	sbarrier.arrive $0xFFFF  }
0x34: {  	[hbm:s4], [sflag:s18] =	dma.local @!p0 [spmem:s5], $0x400  }
0x35: {  	_ =	swait.ge @!p0 [sflag:s17], $0x400  }
0x36: {  	p1 =	por $0x1, $0x1;
	[sflag:s17] =	ssyncset.done @!p0 $0x0  }
.LBB2_2:
0x37: {  	[sflag:s17] =	ssyncadd.s32 @!p0 $0xFFFFFC00  }
0x38: {  	[spmem:s5], [sflag:s18] =	dma.local @!p0 [hbm:s12], $0x400  }
0x39: {  	s19 =	sadd.s32 $0xFFFFFFFF, s19;
	_ =	swait.ge @!p0 [sflag:s17], $0x400  }
0x3a: {  	p2 =	sne.s32 s19, $0x0;
	[sflag:s17] =	ssyncset.done @!p0 $0x0  }
0x3b: {  	[sflag:s17] =	ssyncadd.s32 @!p0 $0xFFFFFC00  }
0x3c: {  	[tilespmem:s1], [sflag:$0x2] =	stream.linear.gather [hbm4b:s15+s1], $0x100, $0x38;
	[tilespmem:$0x4400] =	vst v63  }
0x3d: {  	_ =	swait.ge [sflag:s7], $0x100  }
0x3e: {  	[sflag:s7] =	ssyncset.done $0x0  }
0x3f: {  	[sflag:s7] =	ssyncadd.s32 $0xFFFFFF00  }
0x40: {  	[tilespmem:s13], [sflag:$0x2] =	stream.linear.gather [hbm4b:s9+s1], $0x100, $0x38;
	[tilespmem:$0x4400] =	vst v63  }
0x41: {  	_ =	swait.ge [sflag:s7], $0x100  }
0x42: {  	[sflag:s7] =	ssyncset.done $0x0  }
0x43: {  	[sflag:s7] =	ssyncadd.s32 $0xFFFFFF00  }
0x44: {  	[tilespmem:s8], [sflag:$0x1] =	stream.indirect.gather [hbm4b:s3+s11], $0x40, s1, s11, $0xb8;
	[tilespmem:$0x4400] =	vst v63  }
0x45: {  	_ = 	snop  }
0x46: {  	[tilespmem:s16], [sflag:$0x1] =	stream.indirect.gather [hbm4b:s3+s11], $0x40, s11, s11, $0xb8;
	[tilespmem:$0x4400] =	vst v63  }
0x47: {  	[bflag:$0x0] =	sbarrier.arrive $0xFFFF  }
0x48: {  	[spmem:s2] =	stream.indirect.scatter.add.f32 [tilespmem:s13], [sflag:$0x2], $0x1, s1, s11, $0xb8;
	[tilespmem:$0x4400] =	vst v63  }
0x49: {  	_ =	swait.ge [sflag:s7], $0x80  }
0x4a: {  	[sflag:s7] =	ssyncset.done $0x0  }
0x4b: {  	[sflag:s7] =	ssyncadd.s32 $0xFFFFFF80  }
0x4c: {  	[spmem:s2] =	stream.indirect.scatter.add.f32 [tilespmem:s14], [sflag:$0x2], $0x1, s11, s11, $0xb8;
	[tilespmem:$0x4400] =	vst v63  }
0x4d: {  	_ =	swait.ge [sflag:s7], $0x80  }
0x4e: {  	[sflag:s7] =	ssyncset.done $0x0  }
0x4f: {  	[sflag:s7] =	ssyncadd.s32 $0xFFFFFF80  }
0x50: {  	_ =	swait.ge [sflag:s10], $0x2000  }
0x51: {  	[sflag:s10] =	ssyncset.done $0x0  }
0x52: {  	[sflag:s10] =	ssyncadd.s32 $0xFFFFE000  }
0x53: {  	_ =	swait.ge [sflag:s10], $0x2000  }
0x54: {  	[sflag:s10] =	ssyncset.done $0x0  }
0x55: {  	[sflag:s10] =	ssyncadd.s32 $0xFFFFE000  }
0x56: {  	[hbm4b:s6+s1] =	stream.linear.scatter [tilespmem:s8], [sflag:$0x2], $0x4000, $0x38;
	[tilespmem:$0x4400] =	vst v63  }
0x57: {  	_ =	swait.ge [sflag:s7], $0x4000  }
0x58: {  	[sflag:s7] =	ssyncset.done $0x0  }
.Ltmp2:
0x59: {  	[sflag:s7] =	ssyncadd.s32 $0xFFFFC000;
	(pc) =	sbr.rel @p2 .LBB2_2-.Ltmp2, $4  }
0x5a: {  	[bflag:$0x0] =	sbarrier.arrive $0xFFFF  }
0x5b: {  	[hbm:s4], [sflag:s18] =	dma.local @!p0 [spmem:s5], $0x400  }
0x5c: {  	_ =	swait.ge @!p0 [sflag:s17], $0x400  }
0x5d: {  	[sflag:s17] =	ssyncset.done @!p0 $0x0  }
.LBB2_3:
0x5e: {  	p1 =	por p0, !p1  }
0x5f: {  	s18 =	simm.s32 @!p0 $0x1C02;
	s19 =	simm.s32 @!p0 $0x2;
	[sflag:s17] =	ssyncadd.s32 @!p1 $0xFFFFFC00  }
0x60: {  	[spmem:s5], [sflag:s18] =	dma.local @!p0 [hbm:s12], $0x400  }
0x61: {  	_ =	swait.ge @!p0 [sflag:s19], $0x400  }
0x62: {  	[sflag:s19] =	ssyncset.done @!p0 $0x0  }
0x63: {  	[sflag:s19] =	ssyncadd.s32 @!p0 $0xFFFFFC00  }
0x64: {  	[tilespmem:s1], [sflag:$0x2] =	stream.linear.gather [hbm4b:s15+s1], $0x100, $0x38;
	[tilespmem:$0x4400] =	vst v63  }
0x65: {  	_ =	swait.ge [sflag:s7], $0x100  }
0x66: {  	[sflag:s7] =	ssyncset.done $0x0  }
0x67: {  	[sflag:s7] =	ssyncadd.s32 $0xFFFFFF00  }
0x68: {  	[tilespmem:s13], [sflag:$0x2] =	stream.linear.gather [hbm4b:s9+s1], $0x100, $0x38;
	[tilespmem:$0x4400] =	vst v63  }
0x69: {  	_ =	swait.ge [sflag:s7], $0x100  }
0x6a: {  	[sflag:s7] =	ssyncset.done $0x0  }
0x6b: {  	[sflag:s7] =	ssyncadd.s32 $0xFFFFFF00  }
0x6c: {  	[tilespmem:s8], [sflag:$0x1] =	stream.indirect.gather [hbm4b:s3+s11], $0x40, s1, s11, $0xb8;
	[tilespmem:$0x4400] =	vst v63  }
0x6d: {  	_ = 	snop  }
0x6e: {  	[tilespmem:s16], [sflag:$0x1] =	stream.indirect.gather [hbm4b:s3+s11], $0x40, s11, s11, $0xb8;
	[tilespmem:$0x4400] =	vst v63  }
0x6f: {  	[bflag:$0x0] =	sbarrier.arrive $0xFFFF  }
0x70: {  	[spmem:s2] =	stream.indirect.scatter.add.f32 [tilespmem:s13], [sflag:$0x2], $0x1, s1, s11, $0xb8;
	[tilespmem:$0x4400] =	vst v63  }
0x71: {  	_ =	swait.ge [sflag:s7], $0x80  }
0x72: {  	[sflag:s7] =	ssyncset.done $0x0  }
0x73: {  	[sflag:s7] =	ssyncadd.s32 $0xFFFFFF80  }
0x74: {  	[spmem:s2] =	stream.indirect.scatter.add.f32 [tilespmem:s14], [sflag:$0x2], $0x1, s11, s11, $0xb8;
	[tilespmem:$0x4400] =	vst v63  }
0x75: {  	_ =	swait.ge [sflag:s7], $0x80  }
0x76: {  	[sflag:s7] =	ssyncset.done $0x0  }
0x77: {  	[sflag:s7] =	ssyncadd.s32 $0xFFFFFF80  }
0x78: {  	_ =	swait.ge [sflag:s10], $0x2000  }
0x79: {  	[sflag:s10] =	ssyncset.done $0x0  }
0x7a: {  	[sflag:s10] =	ssyncadd.s32 $0xFFFFE000  }
0x7b: {  	_ =	swait.ge [sflag:s10], $0x2000  }
0x7c: {  	[sflag:s10] =	ssyncset.done $0x0  }
0x7d: {  	[sflag:s10] =	ssyncadd.s32 $0xFFFFE000  }
0x7e: {  	[hbm4b:s6+s1] =	stream.linear.scatter [tilespmem:s8], [sflag:$0x2], $0x4000, $0x38;
	[tilespmem:$0x4400] =	vst v63  }
0x7f: {  	_ =	swait.ge [sflag:s7], $0x4000  }
0x80: {  	[sflag:s7] =	ssyncset.done $0x0  }
0x81: {  	[sflag:s7] =	ssyncadd.s32 $0xFFFFC000  }
0x82: {  	[bflag:$0x0] =	sbarrier.arrive $0xFFFF  }
0x83: {  	[hbm:s4], [sflag:s18] =	dma.local @!p0 [spmem:s5], $0x400  }
0x84: {  	_ =	swait.ge @!p0 [sflag:s19], $0x400  }
0x85: {  	[sflag:s19] =	ssyncset.done @!p0 $0x0  }
0x86: {  	[sflag:s19] =	ssyncadd.s32 @!p0 $0xFFFFFC00  }
0x87: {  	_ =	sfence.sel $0x180000  }
0x88: {  	[bflag:$0x0] =	sbarrier.arrive $0xFFFF  }
0x89: {  	_ =	strace $0x90000047  }
0x8a: {  	s0 =	sadd.s32 @!p0 $0x100000, s0;
	[bflag:$0x2] =	sbarrier.arrive $0xFFFF  }
0x8b: {  	[sflag:s0] =	ssyncadd.tile.s32 @!p0 $0x1;
	_ =	shalt  }
.Lfunc_end2:
_tile_overlayer_lowered:
.L_overlay_start_2:
0x8c: {  	(tag) =	ssettag $0x2  }
0x8d: {  	s0 =	rddreg [dreg:$0x0];
	s2 =	stileid.u32  }
0x8e: {  	s1 =	rddreg [dreg:$0x1];
	p0 =	sne.s32 s2, $0x0  }
0x8f: {  	s3 =	rddreg [dreg:$0x2];
	[bflag:$0x3] =	sbarrier.arrive $0xFFFF;
	s2 =	simm.s32 @!p0 $0x1C02  }
0x90: {  	[timem:s3], [sflag:s2] =	dma.local @!p0 [hbm:s0], s1  }
0x91: {  	s0 =	simm.s32 @!p0 $0x2  }
0x92: {  	_ =	swait.ge @!p0 [sflag:s0], s1  }
0x93: {  	s1 =	ssub.s32 @!p0 $0x0, s1;
	[sflag:s0] =	ssyncset.done @!p0 $0x0  }
0x94: {  	[sflag:s0] =	ssyncadd.s32 @!p0 s1  }
0x95: {  	[bflag:$0x3] =	sbarrier.arrive $0xFFFF  }
0x96: {  	_ =	shalt  }

</sc_bundles>
